<compile_context>
chip_gen: v7x
topology: tpu7x:2x2x1
jax: 0.10.2.dev20260603
libtpu: 0.0.44.dev20260713+nightly
codegen_flags: <defaults>
</compile_context>

<pallas_src>
import functools

import jax
import jax.numpy as jnp
from jax import lax
from jax.experimental import pallas as pl
from jax.experimental.pallas import tpu as pltpu
from jax.experimental.pallas import tpu_sc as plsc

_R = 80
_NW = 32
_NCHUNK = 625

_mesh = plsc.VectorSubcoreMesh(core_axis_name="c", subcore_axis_name="s")


@functools.partial(
    pl.kernel,
    mesh=_mesh,
    out_type=jax.ShapeDtypeStruct((_NW, 128), jnp.float32),
    scratch_types=[
        pltpu.VMEM((_R, 960), jnp.float32),
        pltpu.SemaphoreType.DMA,
    ],
)
def _sc_probe(x_hbm, out_hbm, buf, sem):
    wid = lax.axis_index("s") * 2 + lax.axis_index("c")

    def body(k, carry):
        chunk = wid + _NW * k
        row0 = pl.multiple_of(chunk * _R, 8)
        pltpu.sync_copy(x_hbm.at[pl.ds(row0, _R), :], buf)
        return carry

    nch = (_NCHUNK - wid + _NW - 1) // _NW
    lax.fori_loop(0, nch, body, jnp.int32(0))
    pltpu.sync_copy(buf.at[pl.ds(0, 1), pl.ds(0, 128)],
                    out_hbm.at[pl.ds(wid, 1)])


def _copy_body(x_ref, o_ref):
    o_ref[...] = x_ref[...] + 1.0


def kernel(x, batch, weight, bias):
    sc_out = _sc_probe(x)
    tc_out = pl.pallas_call(
        _copy_body,
        grid=(25,),
        in_specs=[pl.BlockSpec((2000, 960), lambda i: (i, 0))],
        out_specs=pl.BlockSpec((2000, 960), lambda i: (i, 0)),
        out_shape=jax.ShapeDtypeStruct(x.shape, jnp.float32),
        compiler_params=pltpu.CompilerParams(
            dimension_semantics=("arbitrary",)),
    )(x)
    return sc_out, tc_out

# --- scband reference (transcript-rebuilt; emitter-appended) ---
"""Pipeline reference for scband-e3-layer-normal-74526272520548 (READ-ONLY COPY).

The authoritative reference and input builder live on the scoring server;
editing this copy changes nothing except your own understanding.
"""

import jax, jax.numpy as jnp
import numpy as np

IRREPS = [(256, 0), (128, 1), (64, 2)]  # (mul, l); ir.dim = 2*l+1
EPS = 1e-05
N = 50000
NUM_SEG = 64
TOTAL_DIM = sum(m * (2 * l + 1) for m, l in IRREPS)  # 960
NUM_IRREPS = sum(m for m, _ in IRREPS)  # 448


def setup_inputs(seed: int = 0) -> dict:
    key = jax.random.key(seed)
    k1, k2 = jax.random.split(key)
    x = jax.random.normal(k1, (N, TOTAL_DIM), dtype=jnp.float32)
    batch = jnp.sort(jax.random.randint(k2, (N,), 0, NUM_SEG))
    # elementwise_affine params, initialized per reset_parameters()
    weight = jnp.ones((NUM_IRREPS,), dtype=jnp.float32)
    bias = jnp.zeros((NUM_IRREPS,), dtype=jnp.float32)
    return {"x": x, "batch": batch, "weight": weight, "bias": bias}


def reference(x, batch, weight, bias):
    cnt = jax.ops.segment_sum(jnp.ones((x.shape[0],), dtype=x.dtype), batch, num_segments=NUM_SEG)
    cnt = jnp.maximum(cnt, 1.0)
    out = []
    off = 0
    a_off = 0
    for mul, l in IRREPS:
        d = 2 * l + 1
        f = x[:, off:off + mul * d].reshape(-1, mul, d)
        # scatter(..., reduce='mean') over nodes per graph, then mean over mul dim
        seg_mean = jax.ops.segment_sum(f, batch, num_segments=NUM_SEG) / cnt[:, None, None]
        mean = seg_mean.mean(axis=1, keepdims=True)  # [S, 1, d]
        f = f - mean[batch]
        if l == 0:  # ir.is_scalar()
            sq = jax.ops.segment_sum(f * f, batch, num_segments=NUM_SEG) / cnt[:, None, None]
            norm = sq.mean(axis=(1, 2), keepdims=True)  # [S, 1, 1]
            f = f / (jnp.sqrt(norm)[batch] + EPS)
        w = weight[a_off:a_off + mul]
        if l == 0:
            b = bias[a_off:a_off + mul]
            f = f * w[None, :, None] + b[None, :, None]
        else:
            f = f * w[None, :, None]
        out.append(f.reshape(-1, mul * d))
        off += mul * d
        a_off += mul
    return jnp.concatenate(out, axis=-1)

if __name__ == "__main__":
    import jax
    _d = setup_inputs()
    print(jax.jit(kernel)(*tuple(_d.values())))

</pallas_src>

<mosaic_0001>
#map = affine_map<(d0, d1) -> (0, 0)>
module attributes {stable_mosaic.version = 14 : i64} {
  func.func @_sc_probe(%arg0: i32, %arg1: i32, %arg2: memref<50000x960xf32, #tpu.memory_space<hbm>>, %arg3: memref<32x128xf32, #tpu.memory_space<hbm>>, %arg4: memref<80x960xf32, #tpu.memory_space<vmem>>, %arg5: memref<!tpu.dma_semaphore, #tpu.memory_space<semaphore_mem>>) attributes {dimension_semantics = [#tpu.dimension_semantics<core_parallel>, #tpu.dimension_semantics<subcore_parallel>], iteration_bounds = array<i64: 2, 16>, scalar_prefetch = 0 : i64, scratch_operands = 2 : i64, tpu.core_type = #tpu.core_type<sc_vector_subcore>, window_params = [{transform_indices = #map}, {transform_indices = #map}]} {
    %mul3A = arith.constant 2 : i32
    %mul3A_0 = arith.muli %arg1, %mul3A : i32
    %add3A = arith.addi %mul3A_0, %arg0 : i32
    %sub3A = arith.constant 625 : i32
    %sub3A_1 = arith.subi %sub3A, %add3A : i32
    %add3A_2 = arith.constant 32 : i32
    %add3A_3 = arith.addi %sub3A_1, %add3A_2 : i32
    %sub3A_4 = arith.constant 1 : i32
    %sub3A_5 = arith.subi %add3A_3, %sub3A_4 : i32
    %jit3A = arith.constant 32 : i32
    %div3A = arith.divsi %sub3A_5, %jit3A : i32
    %sign3A = arith.constant 0 : i32
    %sign3A_6 = arith.cmpi sgt, %sub3A_5, %sign3A : i32
    %sign3A_7 = arith.extui %sign3A_6 : i1 to i32
    %sign3A_8 = arith.constant 0 : i32
    %sign3A_9 = arith.cmpi slt, %sub3A_5, %sign3A_8 : i32
    %sign3A_10 = arith.extui %sign3A_9 : i1 to i32
    %sign3A_11 = arith.subi %sign3A_7, %sign3A_10 : i32
    %sign3A_12 = arith.constant 0 : i32
    %sign3A_13 = arith.cmpi sgt, %jit3A, %sign3A_12 : i32
    %sign3A_14 = arith.extui %sign3A_13 : i1 to i32
    %sign3A_15 = arith.constant 0 : i32
    %sign3A_16 = arith.cmpi slt, %jit3A, %sign3A_15 : i32
    %sign3A_17 = arith.extui %sign3A_16 : i1 to i32
    %sign3A_18 = arith.subi %sign3A_14, %sign3A_17 : i32
    %ne3A = arith.cmpi ne, %sign3A_11, %sign3A_18 : i32
    %rem3A = arith.remsi %sub3A_5, %jit3A : i32
    %ne3A_19 = arith.constant 0 : i32
    %ne3A_20 = arith.cmpi ne, %rem3A, %ne3A_19 : i32
    %and3A = arith.andi %ne3A, %ne3A_20 : i1
    %sub3A_21 = arith.constant 1 : i32
    %sub3A_22 = arith.subi %div3A, %sub3A_21 : i32
    %select_n3A = arith.select %and3A, %sub3A_22, %div3A : i32
    %while3A = arith.constant 0 : i32
    %while3A_23 = arith.constant 0 : i32
    %while3A_24 = arith.subi %select_n3A, %while3A_23 : i32
    %while3A_25 = arith.addi %while3A_23, %while3A_24 : i32
    %while3A_26 = arith.constant 1 : i32
    %while3A_27 = arith.divsi %while3A_24, %while3A_26 : i32
    %while3A_28 = arith.muli %while3A_27, %while3A_26 : i32
    %while3A_29 = arith.addi %while3A_23, %while3A_28 : i32
    %while3A_30 = arith.constant 1 : i32
    scf.for %while3A_32 = %while3A_23 to %while3A_29 step %while3A_30  : i32 {
      %mul3A_33 = arith.constant 32 : i32
      %mul3A_34 = arith.muli %mul3A_33, %while3A_32 : i32
      %add3A_35 = arith.addi %add3A, %mul3A_34 : i32
      %mul3A_36 = arith.constant 80 : i32
      %mul3A_37 = arith.muli %add3A_35, %mul3A_36 : i32
      %multiple_of3A = tpu.assume_multiple %mul3A_37, 8 : i32
      "tpu.region"() ({
        %run_scoped3A = tpu.sem_alloc : memref<!tpu.dma_semaphore, #tpu.memory_space<semaphore_mem>>
        %dma_start3A = arith.constant 0 : i32
        %dma_start3A_38 = tpu.memref_slice %arg2[%multiple_of3A, %dma_start3A] : memref<50000x960xf32, #tpu.memory_space<hbm>> -> memref<80x960xf32, #tpu.memory_space<hbm>>
        %dma_start3A_39 = arith.constant 0 : i32
        %dma_start3A_40 = tpu.memref_slice %arg2[%multiple_of3A, %dma_start3A_39] : memref<50000x960xf32, #tpu.memory_space<hbm>> -> memref<80x960xf32, #tpu.memory_space<hbm>>
        tpu.enqueue_dma source(%dma_start3A_40 : memref<80x960xf32, #tpu.memory_space<hbm>>) target(%arg4 : memref<80x960xf32, #tpu.memory_space<vmem>>) target_semaphore(%run_scoped3A : memref<!tpu.dma_semaphore, #tpu.memory_space<semaphore_mem>>)
        %dma_wait3A = arith.constant 0 : i32
        %dma_wait3A_41 = tpu.memref_slice %arg2[%multiple_of3A, %dma_wait3A] : memref<50000x960xf32, #tpu.memory_space<hbm>> -> memref<80x960xf32, #tpu.memory_space<hbm>>
        %dma_wait3A_42 = arith.constant 0 : i32
        %dma_wait3A_43 = tpu.memref_slice %arg2[%multiple_of3A, %dma_wait3A_42] : memref<50000x960xf32, #tpu.memory_space<hbm>> -> memref<80x960xf32, #tpu.memory_space<hbm>>
        tpu.wait_dma2 semaphore(%run_scoped3A : memref<!tpu.dma_semaphore, #tpu.memory_space<semaphore_mem>>) src(%dma_wait3A_43 : memref<80x960xf32, #tpu.memory_space<hbm>>) dst(%arg4 : memref<80x960xf32, #tpu.memory_space<vmem>>)
        tpu.yield
      }) : () -> ()
    }
    %while3A_31 = arith.constant 1 : i32
    scf.for %while3A_32 = %while3A_29 to %while3A_25 step %while3A_31  : i32 {
      %mul3A_33 = arith.constant 32 : i32
      %mul3A_34 = arith.muli %mul3A_33, %while3A_32 : i32
      %add3A_35 = arith.addi %add3A, %mul3A_34 : i32
      %mul3A_36 = arith.constant 80 : i32
      %mul3A_37 = arith.muli %add3A_35, %mul3A_36 : i32
      %multiple_of3A = tpu.assume_multiple %mul3A_37, 8 : i32
      "tpu.region"() ({
        %run_scoped3A = tpu.sem_alloc : memref<!tpu.dma_semaphore, #tpu.memory_space<semaphore_mem>>
        %dma_start3A = arith.constant 0 : i32
        %dma_start3A_38 = tpu.memref_slice %arg2[%multiple_of3A, %dma_start3A] : memref<50000x960xf32, #tpu.memory_space<hbm>> -> memref<80x960xf32, #tpu.memory_space<hbm>>
        %dma_start3A_39 = arith.constant 0 : i32
        %dma_start3A_40 = tpu.memref_slice %arg2[%multiple_of3A, %dma_start3A_39] : memref<50000x960xf32, #tpu.memory_space<hbm>> -> memref<80x960xf32, #tpu.memory_space<hbm>>
        tpu.enqueue_dma source(%dma_start3A_40 : memref<80x960xf32, #tpu.memory_space<hbm>>) target(%arg4 : memref<80x960xf32, #tpu.memory_space<vmem>>) target_semaphore(%run_scoped3A : memref<!tpu.dma_semaphore, #tpu.memory_space<semaphore_mem>>)
        %dma_wait3A = arith.constant 0 : i32
        %dma_wait3A_41 = tpu.memref_slice %arg2[%multiple_of3A, %dma_wait3A] : memref<50000x960xf32, #tpu.memory_space<hbm>> -> memref<80x960xf32, #tpu.memory_space<hbm>>
        %dma_wait3A_42 = arith.constant 0 : i32
        %dma_wait3A_43 = tpu.memref_slice %arg2[%multiple_of3A, %dma_wait3A_42] : memref<50000x960xf32, #tpu.memory_space<hbm>> -> memref<80x960xf32, #tpu.memory_space<hbm>>
        tpu.wait_dma2 semaphore(%run_scoped3A : memref<!tpu.dma_semaphore, #tpu.memory_space<semaphore_mem>>) src(%dma_wait3A_43 : memref<80x960xf32, #tpu.memory_space<hbm>>) dst(%arg4 : memref<80x960xf32, #tpu.memory_space<vmem>>)
        tpu.yield
      }) : () -> ()
    }
    "tpu.region"() ({
      %run_scoped3A = tpu.sem_alloc : memref<!tpu.dma_semaphore, #tpu.memory_space<semaphore_mem>>
      %dma_start3A = arith.constant 0 : i32
      %dma_start3A_32 = arith.constant 0 : i32
      %dma_start3A_33 = tpu.memref_slice %arg4[%dma_start3A, %dma_start3A_32] : memref<80x960xf32, #tpu.memory_space<vmem>> -> memref<1x128xf32, #tpu.memory_space<vmem>>
      %dma_start3A_34 = arith.constant 0 : i32
      %dma_start3A_35 = tpu.memref_slice %arg3[%add3A, %dma_start3A_34] : memref<32x128xf32, #tpu.memory_space<hbm>> -> memref<1x128xf32, #tpu.memory_space<hbm>>
      %dma_start3A_36 = arith.constant 0 : i32
      %dma_start3A_37 = tpu.memref_slice %arg3[%add3A, %dma_start3A_36] : memref<32x128xf32, #tpu.memory_space<hbm>> -> memref<1x128xf32, #tpu.memory_space<hbm>>
      %dma_start3A_38 = arith.constant 0 : i32
      %dma_start3A_39 = arith.constant 0 : i32
      %dma_start3A_40 = tpu.memref_slice %arg4[%dma_start3A_38, %dma_start3A_39] : memref<80x960xf32, #tpu.memory_space<vmem>> -> memref<1x128xf32, #tpu.memory_space<vmem>>
      tpu.enqueue_dma source(%dma_start3A_40 : memref<1x128xf32, #tpu.memory_space<vmem>>) target(%dma_start3A_37 : memref<1x128xf32, #tpu.memory_space<hbm>>) target_semaphore(%run_scoped3A : memref<!tpu.dma_semaphore, #tpu.memory_space<semaphore_mem>>)
      %dma_wait3A = arith.constant 0 : i32
      %dma_wait3A_41 = arith.constant 0 : i32
      %dma_wait3A_42 = tpu.memref_slice %arg4[%dma_wait3A, %dma_wait3A_41] : memref<80x960xf32, #tpu.memory_space<vmem>> -> memref<1x128xf32, #tpu.memory_space<vmem>>
      %dma_wait3A_43 = arith.constant 0 : i32
      %dma_wait3A_44 = tpu.memref_slice %arg3[%add3A, %dma_wait3A_43] : memref<32x128xf32, #tpu.memory_space<hbm>> -> memref<1x128xf32, #tpu.memory_space<hbm>>
      %dma_wait3A_45 = arith.constant 0 : i32
      %dma_wait3A_46 = tpu.memref_slice %arg3[%add3A, %dma_wait3A_45] : memref<32x128xf32, #tpu.memory_space<hbm>> -> memref<1x128xf32, #tpu.memory_space<hbm>>
      %dma_wait3A_47 = arith.constant 0 : i32
      %dma_wait3A_48 = arith.constant 0 : i32
      %dma_wait3A_49 = tpu.memref_slice %arg4[%dma_wait3A_47, %dma_wait3A_48] : memref<80x960xf32, #tpu.memory_space<vmem>> -> memref<1x128xf32, #tpu.memory_space<vmem>>
      tpu.wait_dma2 semaphore(%run_scoped3A : memref<!tpu.dma_semaphore, #tpu.memory_space<semaphore_mem>>) src(%dma_wait3A_49 : memref<1x128xf32, #tpu.memory_space<vmem>>) dst(%dma_wait3A_46 : memref<1x128xf32, #tpu.memory_space<hbm>>)
      tpu.yield
    }) : () -> ()
    return
  }
}

module attributes {stable_mosaic.version = 14 : i64} {
  func.func @_copy_body(%arg0: i32, %arg1: memref<2000x960xf32, #tpu.memory_space<vmem>>, %arg2: memref<2000x960xf32, #tpu.memory_space<vmem>>) attributes {dimension_semantics = [#tpu.dimension_semantics<arbitrary>], iteration_bounds = array<i64: 25>, scalar_prefetch = 0 : i64, scratch_operands = 0 : i64, tpu.core_type = #tpu.core_type<tc>, window_params = [{transform_indices = @transform_0, window_bounds = array<i64: 2000, 960>}, {transform_indices = @transform_1, window_bounds = array<i64: 2000, 960>}]} {
    %get3A = arith.constant 0 : index
    %get3A_0 = arith.constant 0 : index
    %get3A_1 = vector.load %arg1[%get3A, %get3A_0] : memref<2000x960xf32, #tpu.memory_space<vmem>>, vector<2000x960xf32>
    %add3A = arith.constant 1.000000e+00 : f32
    %add3A_2 = vector.broadcast %add3A : f32 to vector<2000x960xf32>
    %add3A_3 = arith.addf %get3A_1, %add3A_2 : vector<2000x960xf32>
    %swap3A = arith.constant 0 : index
    %swap3A_4 = arith.constant 0 : index
    %swap3A_5 = vector.load %arg2[%swap3A, %swap3A_4] : memref<2000x960xf32, #tpu.memory_space<vmem>>, vector<2000x960xf32>
    tpu.vector_store %arg2[%swap3A, %swap3A_4], %add3A_3 {strides = array<i32>} : memref<2000x960xf32, #tpu.memory_space<vmem>>, vector<2000x960xf32>,
    return
  }
  func.func @transform_0(%arg0: i32) -> (i32, i32) {
    %c0_i32 = arith.constant 0 : i32
    %c0_i32_0 = arith.constant 0 : i32
    return %arg0, %c0_i32 : i32, i32
  }
  func.func @transform_1(%arg0: i32) -> (i32, i32) {
    %c0_i32 = arith.constant 0 : i32
    %c0_i32_0 = arith.constant 0 : i32
    return %arg0, %c0_i32 : i32, i32
  }
}

</mosaic_0001>

<sc_bundles>
// kernel: kernel.4.cloned.1.call-start
scs
__scs_entry_jumppad:
0x0: {  	(pc) =	sbr.rel $0x88, $3  }
0x1: {  	(tag) =	ssettag $0x0;
	lr =	simm.s32 $0x1  }
0x2: {  	[smem:$0x3FA0] =	sst lr;
	_ =	strace $0xD0000000  }
0x3: {  	_ = 	snop  }
0x4: {  	_ = 	snop  }
0x5: {  	_ = 	snop  }
0x6: {  	_ = 	snop  }
0x7: {  	_ = 	snop  }
__scs_overlays_trampoline_lowered:
0x8: {  	[smem:$0x3FAF] =	sst s0  }
0x9: {  	[smem:$0x3FB0] =	sst s1  }
0xa: {  	[smem:$0x3FB1] =	sst s2  }
0xb: {  	[smem:$0x3FB2] =	sst s3  }
0xc: {  	[smem:$0x3FB3] =	sst s4  }
0xd: {  	[smem:$0x3FB4] =	sst s5  }
0xe: {  	[smem:$0x3FB5] =	sst s6  }
0xf: {  	[smem:$0x3FB6] =	sst s7  }
0x10: {  	[smem:$0x3FB7] =	sst s8  }
0x11: {  	[smem:$0x3FB8] =	sst s9;
	s0 =	simm.s32 @!p0 $0x0  }
0x12: {  	s1 =	sld [smem:$0x3F9E];
	s0 =	simm.s32 @p0 $0x1  }
0x13: {  	[smem:$0x3FB9] =	sst s0;
	s0 =	simm.s32 @!p1 $0x0  }
0x14: {  	s2 =	sld [smem:$0x3F9D];
	s0 =	simm.s32 @p1 $0x1  }
0x15: {  	[smem:$0x3FBA] =	sst s0;
	s0 =	simm.s32 @!p2 $0x0  }
0x16: {  	s3 =	sld [smem:$0x3FDB];
	s0 =	simm.s32 @p2 $0x1  }
0x17: {  	s4 =	simm.s32 $0x1BF5;
	[smem:$0x3FBC] =	sst s0  }
0x18: {  	s0 =	sld [smem:$0x3F9F];
	_ =	swait.ge [sflag:s4], $0x0  }
0x19: {  	s7 =	sld [smem:$0x3FA0]  }
0x1a: {  	s8 =	sadd.s32 $0xFFFFE003, lr  }
0x1b: {  	s9 =	sadd.s32 $0xFFFFFEF7, lr;
	s5 =	simm.s32 $0xFFFFFFFF;
	p2 =	slt.u32 s8, $0xFFFFF086  }
0x1c: {  	p1 =	slt.u32 s9, $0xF7A;
	s5 =	simm.s32 @!p2 $0x0  }
0x1d: {  	s5 =	simm.s32 @p1 $0x1;
	p0 =	seq.s32 s7, s2  }
0x1e: {  	s7 =	smul.u32 @!p0 $0xF7A, s2;
	p2 =	seq.s32 @!p0 s5, $0x0  }
0x1f: {  	s9 =	smul.u32 $0xF7A, s1;
	s8 =	simm.s32 @!p0 $0x1BF5;
	p2 =	por !p2, p0  }
0x20: {  	[sflag:s8] =	ssyncset.s32 @!p0 $0xFFFFF086;
	s6 =	sadd.s32 @!p0 s3, s7;
	s7 =	simm.s32 @!p0 $0x108  }
0x21: {  	s3 =	sadd.s32 s3, s9;
	s6 =	sadd.s32 @!p0 $0x88, s6;
	s7 =	simm.s32 @p2 $0x1082  }
0x22: {  	[simem:s7], [sflag:s8] =	dma.local @!p0 [hbm:s6], $0xF7A  }
0x23: {  	s9 =	sor.u32 $0xD0000000, s2;
	s6 =	simm.s32 $0x108;
	_ =	swait.ge @!p0 [sflag:s8], $0x0  }
0x24: {  	s3 =	sadd.s32 $0x88, s3;
	s6 =	simm.s32 @!p1 $0x1082;
	[sflag:s4] =	ssyncset.s32 $0xFFFFF086  }
0x25: {  	[simem:s6], [sflag:s4] =	dma.local [hbm:s3], $0xF7A  }
0x26: {  	[smem:$0x3FA0] =	sst s1;
	(tag) =	ssettag s2;
	_ =	strace s9  }
0x27: {  	s1 =	sld [smem:$0x3FB0]  }
0x28: {  	s2 =	sld [smem:$0x3FB1]  }
0x29: {  	s4 =	sld [smem:$0x3FB3]  }
0x2a: {  	p0 =	seq.s32 s5, $0x0;
	s5 =	sld [smem:$0x3FB4]  }
0x2b: {  	s6 =	sld [smem:$0x3FB5]  }
0x2c: {  	s7 =	sld [smem:$0x3FB6]  }
0x2d: {  	s3 =	simm.s32 $0x108;
	s8 =	sld [smem:$0x3FB7]  }
0x2e: {  	s3 =	simm.s32 @!p0 $0x1082;
	s9 =	sld [smem:$0x3FB8]  }
0x2f: {  	lr =	sadd.s32 s0, s3;
	s0 =	sld [smem:$0x3FAF]  }
0x30: {  	s3 =	sld [smem:$0x3FB2]  }
0x31: {  	[smem:$0x3FBB] =	sst s10  }
0x32: {  	s10 =	sld [smem:$0x3FB9];
	_ =	sdelay $0x3  }
0x33: {  	p0 =	seq.s32 s10, $0x1;
	s10 =	sld [smem:$0x3FBB];
	_ =	sdelay $0x3  }
0x34: {  	[smem:$0x3FBB] =	sst s10  }
0x35: {  	s10 =	sld [smem:$0x3FBA];
	_ =	sdelay $0x3  }
0x36: {  	p1 =	seq.s32 s10, $0x1;
	s10 =	sld [smem:$0x3FBB];
	_ =	sdelay $0x3  }
0x37: {  	[smem:$0x3FBB] =	sst s10  }
0x38: {  	s10 =	sld [smem:$0x3FBC]  }
0x39: {  	_ = 	snop;
	(pc) =	sbr.ind lr, $3  }
0x3a: {  	_ = 	snop  }
0x3b: {  	_ = 	snop  }
0x3c: {  	p2 =	seq.s32 s10, $0x1;
	s10 =	sld [smem:$0x3FBB]  }
0x3d: {  	_ =	shalt  }
0x3e: {  	_ =	shalt  }
0x3f: {  	_ =	shalt  }
0x40: {  	_ =	shalt  }
0x41: {  	_ =	shalt  }
0x42: {  	_ =	shalt  }
0x43: {  	_ =	shalt  }
0x44: {  	_ =	shalt  }
0x45: {  	_ =	shalt  }
0x46: {  	_ =	shalt  }
0x47: {  	_ =	shalt  }
0x48: {  	_ =	shalt  }
0x49: {  	_ =	shalt  }
0x4a: {  	_ =	shalt  }
0x4b: {  	_ =	shalt  }
0x4c: {  	_ =	shalt  }
0x4d: {  	_ =	shalt  }
0x4e: {  	_ =	shalt  }
0x4f: {  	_ =	shalt  }
0x50: {  	_ =	shalt  }
0x51: {  	_ =	shalt  }
0x52: {  	_ =	shalt  }
0x53: {  	_ =	shalt  }
0x54: {  	_ =	shalt  }
0x55: {  	_ =	shalt  }
0x56: {  	_ =	shalt  }
0x57: {  	_ =	shalt  }
0x58: {  	_ =	shalt  }
0x59: {  	_ =	shalt  }
0x5a: {  	_ =	shalt  }
0x5b: {  	_ =	shalt  }
0x5c: {  	_ =	shalt  }
0x5d: {  	_ =	shalt  }
0x5e: {  	_ =	shalt  }
0x5f: {  	_ =	shalt  }
0x60: {  	_ =	shalt  }
0x61: {  	_ =	shalt  }
0x62: {  	_ =	shalt  }
0x63: {  	_ =	shalt  }
0x64: {  	_ =	shalt  }
0x65: {  	_ =	shalt  }
0x66: {  	_ =	shalt  }
0x67: {  	_ =	shalt  }
0x68: {  	_ =	shalt  }
0x69: {  	_ =	shalt  }
0x6a: {  	_ =	shalt  }
0x6b: {  	_ =	shalt  }
0x6c: {  	_ =	shalt  }
0x6d: {  	_ =	shalt  }
0x6e: {  	_ =	shalt  }
0x6f: {  	_ =	shalt  }
0x70: {  	_ =	shalt  }
0x71: {  	_ =	shalt  }
0x72: {  	_ =	shalt  }
0x73: {  	_ =	shalt  }
0x74: {  	_ =	shalt  }
0x75: {  	_ =	shalt  }
0x76: {  	_ =	shalt  }
0x77: {  	_ =	shalt  }
0x78: {  	_ =	shalt  }
0x79: {  	_ =	shalt  }
0x7a: {  	_ =	shalt  }
0x7b: {  	_ =	shalt  }
0x7c: {  	_ =	shalt  }
0x7d: {  	_ =	shalt  }
0x7e: {  	_ =	shalt  }
0x7f: {  	_ =	shalt  }
0x80: {  	_ =	shalt  }
0x81: {  	_ =	shalt  }
0x82: {  	_ =	shalt  }
0x83: {  	_ =	shalt  }
0x84: {  	_ =	shalt  }
0x85: {  	_ =	shalt  }
0x86: {  	_ =	shalt  }
0x87: {  	_ =	shalt  }
.Lfunc_end0:
.L_simem_size_0:
called_computation_lowered:
.L_overlay_start_0:
0x88: {  	s2 =	sld [smem:$0x3FD9]  }
0x89: {  	s3 =	sld [smem:$0x3FFE];
	_ =	sdelay $0x1  }
0x8a: {  	s1 =	srdreg.scid  }
0x8b: {  	s0 =	sand.u32 $0x1, s1  }
0x8c: {  	s14 =	sshll.u32 s0, $0xA;
	s2 =	sadd.s32 s3, s2  }
0x8d: {  	s2 =	sadd.s32 s2, s14  }
0x8e: {  	[smem:$0x3FC7] =	sst s2  }
0x8f: {  	_ = 	snop  }
0x90: {  	s2 =	sld [smem:$0x3FD0];
	_ =	sdelay $0x2  }
0x91: {  	s15 =	simm.s32 $0xA;
	s4 =	simm.s32 $0x10  }
0x92: {  	[smem:s4], [sflag:s15] =	dma.local [hbm:s2], $0x1  }
0x93: {  	_ =	swait.eq [sflag:s15], $0x1  }
0x94: {  	[sflag:s15] =	ssyncset.done $0x0  }
0x95: {  	[sflag:s15] =	ssyncadd.s32 $0xFFFFFFFF  }
0x96: {  	s16 =	sld [smem:$0x10];
	(tm) =	ssettm $0x1  }
0x97: {  	s17 =	sld [smem:$0x3FFB];
	_ =	sdelay $0x3  }
0x98: {  	_ =	strace s17  }
0x99: {  	s3 =	sld [smem:$0x3FFC];
	_ =	sdelay $0x3  }
0x9a: {  	_ =	strace s3  }
0x9b: {  	s3 =	sld [smem:$0x3FFD];
	_ =	sdelay $0x3  }
0x9c: {  	_ =	strace s3  }
0x9d: {  	_ =	strace $0x8FFFFFFF  }
0x9e: {  	s18 =	sld [smem:$0x3FDB];
	_ =	sdelay $0x1  }
0x9f: {  	s19 =	simm.s32 $_scs_section_size  }
0xa0: {  	s5 =	simm.s32 $_size__tile_overlayer_lowered;
	s6 =	simm.s32 $_tile_overlayer_lowered  }
0xa1: {  	s22 =	simm.s32 $0x1BFF;
	s21 =	sshll.u32 s6, $0x1;
	s3 =	sadd.s32 s19, s18  }
0xa2: {  	s7 =	simm.s32 $0x0;
	s20 =	sshll.u32 s5, $0x1;
	s5 =	sadd.s32 s21, s3  }
0xa3: {  	[timem:s7], [sflag:s22] =	dma.local [hbm:s5], s20  }
0xa4: {  	_ =	swait.ge [sflag:s22], s20  }
0xa5: {  	s4 =	ssub.s32 $0x0, s20;
	[sflag:s22] =	ssyncset.done $0x0  }
0xa6: {  	[sflag:s22] =	ssyncadd.s32 s4;
	_ =	sdelay $0x1  }
0xa7: {  	s23 =	simm.s32 $0x1B8B  }
0xa8: {  	_ =	swait.ge [sflag:s23], $0x1  }
0xa9: {  	[sflag:s23] =	ssyncset.done $0x0  }
0xaa: {  	s25 =	simm.s32 $0x1B8E;
	s24 =	sld [smem:$0x3FFE];
	[sflag:s23] =	ssyncadd.s32 $0xFFFFFFFF  }
0xab: {  	s26 =	simm.s32 $execute0_lowered;
	[smem:$0x3FD2] =	sst s25  }
0xac: {  	s5 =	sshll.u32 s26, $0x1;
	_ =	strace $0x80000046;
	[dreg:$0x1] =	wrdreg $0xFFFFFFFF  }
0xad: {  	s28 =	simm.s32 $_size_execute0_lowered;
	s3 =	sadd.s32 s3, s5;
	[dreg:$0x0] =	wrdreg $0x0  }
0xae: {  	s5 =	sshll.u32 s28, $0x1;
	[dreg:$0x2] =	wrdreg s3  }
0xaf: {  	[dreg:$0x3] =	wrdreg s5  }
0xb0: {  	[dreg:$0x4] =	wrdreg $0xC0  }
0xb1: {  	_ =	task [dreg:s7], $0x5FFFF  }
0xb2: {  	[dreg:$0x1] =	wrdreg $0xFFFFFFFF  }
0xb3: {  	[dreg:$0x0] =	wrdreg $0x60  }
0xb4: {  	[dreg:$0x2] =	wrdreg s24  }
0xb5: {  	[dreg:$0x3] =	wrdreg s16  }
0xb6: {  	[dreg:$0x4] =	wrdreg $0x9  }
0xb7: {  	_ =	task.clear_ibuf [dreg:s7], $0x5FFFF;
	_ =	strace $0x90000046  }
0xb8: {  	s29 =	simm.s32 $0x9;
	_ =	strace $0x80000048  }
0xb9: {  	_ =	swait.ge [sflag:s29], $0x1  }
0xba: {  	[sflag:s29] =	ssyncadd.s32 $0xFFFFFFFF  }
0xbb: {  	_ =	strace $0x90000048  }
0xbc: {  	_ =	sfence  }
0xbd: {  	s30 =	sld [smem:$0x0];
	_ =	sdelay $0x2  }
0xbe: {  	s31 =	sshll.u32 s1, $0xD;
	s1 =	sshrl.u32 s1, $0x2  }
0xbf: {  	s3 =	sand.u32 $0x4000, s31;
	s1 =	sadd.s32 s1, s30  }
0xc0: {  	s0 =	sor.u32 s3, s0;
	s1 =	sshll.u32 s1, $0x11  }
0xc1: {  	s0 =	sor.u32 s1, s0  }
0xc2: {  	s0 =	sadd.s32 $0x8F2B, s0  }
0xc3: {  	[sflag:s0] =	ssyncadd.remote.s32 $0x1  }
0xc4: {  	_ =	sfence.sel $0xFFFF  }
0xc5: {  	[dreg:$0x0] =	wrdreg $0xFFFFFFFF;
	(pc) =	sbr.abs _section_cstart, $3  }
0xc6: {  	[dreg:$0x1] =	wrdreg $0xFFFFFFFF  }
0xc7: {  	_ =	task.clear_ibuf [dreg:s7], $0x2FFFF;
	_ =	strace $0x9FFFFFFF  }
0xc8: {  	(tm) =	ssettm $0x7FFFFFFF  }
0xc9: {  	_ =	shalt  }
tec
execute0_lowered:
.L_overlay_start_1:
0x0: {  	(tag) =	ssettag $0x1  }
0x1: {  	s3 =	rddreg [dreg:$0x0]  }
0x2: {  	s4 =	rddreg [dreg:$0x1]  }
0x3: {  	s0 =	rddreg [dreg:$0x2];
	s1 =	simm.s32 $0x0;
	s2 =	srdreg.scid  }
0x4: {  	[smem:$0x7FF] =	sst s1;
	s5 =	sand.u32 $0x1, s2  }
0x5: {  	s2 =	stileid.u32;
	s3 =	sadd.s32 $0x400, s3;
	_ =	strace $0x80000047  }
0x6: {  	s6 =	ssub.s32 $0x2, s5;
	s8 =	sshll.u32 s2, $0x1;
	s31 =	smul.u32 $0x28000, s2  }
0x7: {  	s10 =	smul.u32 $0x14000, s5;
	s7 =	sshrl.u32 s6, $0x1;
	s30 =	sor.u32 s5, s8  }
0x8: {  	s8 =	simm.s32 $0x1;
	s6 =	ssub.s32 s6, s7;
	s9 =	sshll.u32 s30, $0x4  }
0x9: {  	s7 =	ssub.s32 $0x290, s30;
	s4 =	sadd.s32 s4, s9;
	s5 =	smax.u32 s6, $0x1  }
0xa: {  	s6 =	sshrl.u32 s7, $0x5;
	s7 =	sadd.s32 s10, s31;
	s9 =	simm.s32 $0x0  }
.LBB2_1:
0xb: {  	p0 =	sne.s32 s6, $0x1  }
.Ltmp0:
0xc: {  	_ = 	snop;
	(pc) =	sbr.rel @!p0 .LBB2_3-.Ltmp0, $4  }
0xd: {  	s10 =	sshrl.u32 s7, $0x3  }
0xe: {  	s10 =	sadd.s32 s3, s10  }
0xf: {  	[tilespmem:s1], [sflag:$0x1] =	stream.linear.gather [hbm4b:s10+s1], $0x14000, $0x38;
	[tilespmem:$0x14000] =	vst v63  }
0x10: {  	s11 =	sadd.s32 $0x280000, s7;
	s10 =	sadd.s32 $0xFFFFFFFF, s6;
	_ =	swait.ge [sflag:s8], $0x14000  }
.LBB2_2:
0x11: {  	s12 =	sshrl.u32 s11, $0x3;
	[sflag:s8] =	ssyncset.done $0x0;
	p0 =	sne.s32 s10, $0x1  }
.Ltmp1:
0x12: {  	s12 =	sadd.s32 s3, s12;
	[sflag:s8] =	ssyncadd.s32 $0xFFFEC000;
	(pc) =	sbr.rel @p0 .LBB2_2-.Ltmp1, $3  }
0x13: {  	[tilespmem:s1], [sflag:$0x1] =	stream.linear.gather [hbm4b:s12+s1], $0x14000, $0x38;
	[tilespmem:$0x14000] =	vst v63  }
0x14: {  	s10 =	sadd.s32 $0xFFFFFFFF, s10;
	_ =	sdelay $0x1  }
0x15: {  	s11 =	sadd.s32 $0x280000, s11;
	_ =	swait.ge [sflag:s8], $0x14000  }
.LBB2_3:
0x16: {  	s9 =	sadd.s32 $0x1, s9  }
0x17: {  	[sflag:s8] =	ssyncset.done $0x0;
	p0 =	sne.s32 s9, s5  }
.Ltmp2:
0x18: {  	[sflag:s8] =	ssyncadd.s32 $0xFFFEC000;
	(pc) =	sbr.rel @p0 .LBB2_1-.Ltmp2, $4  }
0x19: {  	[hbm4b:s4+s1] =	stream.linear.scatter [tilespmem:s1], [sflag:$0x1], $0x80, $0x38;
	[tilespmem:$0x14000] =	vst v63  }
0x1a: {  	_ =	swait.ge [sflag:s8], $0x80  }
0x1b: {  	[sflag:s8] =	ssyncset.done $0x0  }
0x1c: {  	[sflag:s8] =	ssyncadd.s32 $0xFFFFFF80  }
0x1d: {  	_ =	sfence.sel $0x180000  }
0x1e: {  	[bflag:$0x0] =	sbarrier.arrive $0xFFFF  }
0x1f: {  	p0 =	sne.s32 s2, $0x0;
	_ =	strace $0x90000047  }
0x20: {  	s0 =	sadd.s32 @!p0 $0x100000, s0;
	[bflag:$0x2] =	sbarrier.arrive $0xFFFF  }
0x21: {  	[sflag:s0] =	ssyncadd.tile.s32 @!p0 $0x1;
	_ =	shalt  }
.Lfunc_end2:
_tile_overlayer_lowered:
.L_overlay_start_2:
0x22: {  	(tag) =	ssettag $0x2  }
0x23: {  	s0 =	rddreg [dreg:$0x0];
	s2 =	stileid.u32  }
0x24: {  	s1 =	rddreg [dreg:$0x1];
	p0 =	sne.s32 s2, $0x0  }
0x25: {  	s3 =	rddreg [dreg:$0x2];
	[bflag:$0x3] =	sbarrier.arrive $0xFFFF;
	s2 =	simm.s32 @!p0 $0x1C01  }
0x26: {  	[timem:s3], [sflag:s2] =	dma.local @!p0 [hbm:s0], s1  }
0x27: {  	s0 =	simm.s32 @!p0 $0x1  }
0x28: {  	_ =	swait.ge @!p0 [sflag:s0], s1  }
0x29: {  	s1 =	ssub.s32 @!p0 $0x0, s1;
	[sflag:s0] =	ssyncset.done @!p0 $0x0  }
0x2a: {  	[sflag:s0] =	ssyncadd.s32 @!p0 s1  }
0x2b: {  	[bflag:$0x3] =	sbarrier.arrive $0xFFFF  }
0x2c: {  	_ =	shalt  }

</sc_bundles>
